<compile_context>
chip_gen: v7x
topology: tpu7x:2x2x1
jax: 0.10.2.dev20260603
libtpu: 0.0.44.dev20260713+nightly
codegen_flags: <defaults>
</compile_context>

<pallas_src>
import functools
import jax
import jax.numpy as jnp
from jax import lax
from jax.experimental import pallas as pl
from jax.experimental.pallas import tpu as pltpu
from jax.experimental.pallas import tpu_sc as plsc

_TB = 1024
_CH = 128


def _tables_body(emb_ref, w1t_ref, b1_ref, w2t_ref, b2_ref, t1_ref, t2_ref):
    dn = (((1,), (0,)), ((), ()))
    t1 = jax.lax.dot_general(emb_ref[...], w1t_ref[...], dn,
                             preferred_element_type=jnp.float32) + b1_ref[0][None, :]
    t1_ref[...] = t1
    t2_ref[...] = jax.lax.dot_general(t1, w2t_ref[...], dn,
                                      preferred_element_type=jnp.float32) + b2_ref[0][None, :]


def _hid_body(ids_ref, t1_ref, t2_ref, h1_ref, h2_ref):
    ids = ids_ref[...]
    bdim, tdim = ids.shape
    iota = jax.lax.broadcasted_iota(jnp.int32, (bdim, tdim, 128), 2)
    onehot = (ids[:, :, None] == iota).astype(jnp.float32)
    dn = (((2,), (0,)), ((), ()))
    h1_ref[...] = jax.lax.dot_general(onehot, t1_ref[...], dn,
                                      preferred_element_type=jnp.float32)
    h2_ref[...] = jax.lax.dot_general(onehot, t2_ref[...], dn,
                                      preferred_element_type=jnp.float32)


def _sc_gather_body(ids_hbm, table_hbm, out_hbm, idx_v,
                    rows0, rows1, rows2, rows3,
                    g0, g1, g2, g3, s0, s1, s2, s3):
    info = plsc.get_sparse_core_info()
    nw = info.num_cores * info.num_subcores
    wid = lax.axis_index("s") * info.num_cores + lax.axis_index("c")
    tokens_per_w = out_hbm.shape[0] // nw
    nch = tokens_per_w // _CH
    base = wid * tokens_per_w
    pltpu.sync_copy(ids_hbm.at[pl.ds(base, tokens_per_w)], idx_v)
    rows = (rows0, rows1, rows2, rows3)
    gsem = (g0, g1, g2, g3)
    ssem = (s0, s1, s2, s3)
    gcp = [None] * nch
    scp = [None] * nch
    for ch in range(nch):
        b = ch % 4
        if ch >= 4:
            scp[ch - 4].wait()
        gcp[ch] = pltpu.async_copy(
            table_hbm.at[idx_v.at[pl.ds(ch * _CH, _CH)]], rows[b], gsem[b])
        if ch >= 1:
            pb = (ch - 1) % 4
            gcp[ch - 1].wait()
            scp[ch - 1] = pltpu.async_copy(
                rows[pb], out_hbm.at[pl.ds(base + (ch - 1) * _CH, _CH)], ssem[pb])
    gcp[nch - 1].wait()
    scp[nch - 1] = pltpu.async_copy(
        rows[(nch - 1) % 4], out_hbm.at[pl.ds(base + (nch - 1) * _CH, _CH)],
        ssem[(nch - 1) % 4])
    for ch in range(max(nch - 4, 0), nch):
        scp[ch].wait()


def kernel(input_ids, emb, W1, b1, W2, b2):
    B, S = input_ids.shape
    V, H = emb.shape
    embp = jnp.zeros((128, H), dtype=emb.dtype).at[:V].set(emb)
    w1t = W1.T
    w2t = W2.T
    b1r = b1.reshape(1, H)
    b2r = b2.reshape(1, H)

    full = lambda: (0, 0)
    t1, t2 = pl.pallas_call(
        _tables_body,
        out_shape=[jax.ShapeDtypeStruct((128, H), jnp.float32)] * 2,
    )(embp, w1t, b1r, w2t, b2r)

    ids_flat = input_ids.reshape(B * S)
    mesh = plsc.VectorSubcoreMesh(core_axis_name="c", subcore_axis_name="s")
    sc_gather = functools.partial(
        pl.kernel,
        out_type=jax.ShapeDtypeStruct((B * S, H), jnp.float32),
        mesh=mesh,
        scratch_types=(
            [pltpu.VMEM((B * S // 32,), jnp.int32)]
            + [pltpu.VMEM((_CH, H), jnp.float32)] * 4
            + [pltpu.SemaphoreType.DMA] * 8
        ),
    )(_sc_gather_body)
    x = sc_gather(ids_flat, embp).reshape(B, S, H)

    nblk = S // _TB
    grid_spec = pl.GridSpec(
        grid=(nblk,),
        in_specs=[
            pl.BlockSpec((B, _TB), lambda i: (0, i)),
            pl.BlockSpec((128, H), lambda i: (0, 0)),
            pl.BlockSpec((128, H), lambda i: (0, 0)),
        ],
        out_specs=[
            pl.BlockSpec((B, _TB, H), lambda i: (0, i, 0)),
            pl.BlockSpec((B, _TB, H), lambda i: (0, i, 0)),
        ],
    )
    h1, h2 = pl.pallas_call(
        _hid_body,
        grid_spec=grid_spec,
        out_shape=[jax.ShapeDtypeStruct((B, S, H), jnp.float32)] * 2,
        compiler_params=pltpu.CompilerParams(
            dimension_semantics=("arbitrary",),
        ),
    )(input_ids, t1, t2)
    return (x, h1, h2)

# --- scband reference (transcript-rebuilt; emitter-appended) ---
"""Pipeline reference for scband-mock-model-27462020890942 (READ-ONLY COPY).

The authoritative reference and input builder live on the scoring server;
editing this copy changes nothing except your own understanding.
"""

import jax, jax.numpy as jnp
import numpy as np

B, S, H, V = 4, 8192, 128, 100

def setup_inputs(seed: int = 0) -> dict:
    key = jax.random.key(seed)
    k1, k2, k3, k4, k5, k6 = jax.random.split(key, 6)
    input_ids = jax.random.randint(k1, (B, S), 0, V)
    emb = jax.random.normal(k2, (V, H), dtype=jnp.float32)
    s = 1.0 / np.sqrt(H)
    W1 = jax.random.uniform(k3, (H, H), minval=-s, maxval=s, dtype=jnp.float32)
    b1 = jax.random.uniform(k4, (H,), minval=-s, maxval=s, dtype=jnp.float32)
    W2 = jax.random.uniform(k5, (H, H), minval=-s, maxval=s, dtype=jnp.float32)
    b2 = jax.random.uniform(k6, (H,), minval=-s, maxval=s, dtype=jnp.float32)
    return {"input_ids": input_ids, "emb": emb, "W1": W1, "b1": b1, "W2": W2, "b2": b2}

def reference(input_ids, emb, W1, b1, W2, b2):
    # embedding lookup
    x = jnp.take(emb, input_ids, axis=0)  # [B, S, H]
    hidden_states = [x]
    # layer 1: torch nn.Linear computes x @ W.T + b
    x = x @ W1.T + b1
    hidden_states.append(x)
    # layer 2
    x = x @ W2.T + b2
    hidden_states.append(x)
    return tuple(hidden_states)

if __name__ == "__main__":
    import jax
    _d = setup_inputs()
    print(jax.jit(kernel)(*tuple(_d.values())))

</pallas_src>

<mosaic_0001>
#map = affine_map<(d0, d1) -> (0)>
#map1 = affine_map<(d0, d1) -> (0, 0)>
module attributes {stable_mosaic.version = 14 : i64} {
  func.func @_sc_gather_body(%arg0: i32, %arg1: i32, %arg2: memref<32768xi32, #tpu.memory_space<hbm>>, %arg3: memref<128x128xf32, #tpu.memory_space<hbm>>, %arg4: memref<32768x128xf32, #tpu.memory_space<hbm>>, %arg5: memref<1024xi32, #tpu.memory_space<vmem>>, %arg6: memref<128x128xf32, #tpu.memory_space<vmem>>, %arg7: memref<128x128xf32, #tpu.memory_space<vmem>>, %arg8: memref<128x128xf32, #tpu.memory_space<vmem>>, %arg9: memref<128x128xf32, #tpu.memory_space<vmem>>, %arg10: memref<!tpu.dma_semaphore, #tpu.memory_space<semaphore_mem>>, %arg11: memref<!tpu.dma_semaphore, #tpu.memory_space<semaphore_mem>>, %arg12: memref<!tpu.dma_semaphore, #tpu.memory_space<semaphore_mem>>, %arg13: memref<!tpu.dma_semaphore, #tpu.memory_space<semaphore_mem>>, %arg14: memref<!tpu.dma_semaphore, #tpu.memory_space<semaphore_mem>>, %arg15: memref<!tpu.dma_semaphore, #tpu.memory_space<semaphore_mem>>, %arg16: memref<!tpu.dma_semaphore, #tpu.memory_space<semaphore_mem>>, %arg17: memref<!tpu.dma_semaphore, #tpu.memory_space<semaphore_mem>>) attributes {dimension_semantics = [#tpu.dimension_semantics<core_parallel>, #tpu.dimension_semantics<subcore_parallel>], iteration_bounds = array<i64: 2, 16>, scalar_prefetch = 0 : i64, scratch_operands = 13 : i64, tpu.core_type = #tpu.core_type<sc_vector_subcore>, window_params = [{transform_indices = #map}, {transform_indices = #map1}, {transform_indices = #map1}]} {
    %mul3A = arith.constant 2 : i32
    %mul3A_0 = arith.muli %arg1, %mul3A : i32
    %add3A = arith.addi %mul3A_0, %arg0 : i32
    %mul3A_1 = arith.constant 1024 : i32
    %mul3A_2 = arith.muli %add3A, %mul3A_1 : i32
    "tpu.region"() ({
      %run_scoped3A = tpu.sem_alloc : memref<!tpu.dma_semaphore, #tpu.memory_space<semaphore_mem>>
      %dma_start3A_161 = tpu.memref_slice %arg2[%mul3A_2] : memref<32768xi32, #tpu.memory_space<hbm>> -> memref<1024xi32, #tpu.memory_space<hbm>>
      %dma_start3A_162 = tpu.memref_slice %arg2[%mul3A_2] : memref<32768xi32, #tpu.memory_space<hbm>> -> memref<1024xi32, #tpu.memory_space<hbm>>
      tpu.enqueue_dma source(%dma_start3A_162 : memref<1024xi32, #tpu.memory_space<hbm>>) target(%arg5 : memref<1024xi32, #tpu.memory_space<vmem>>) target_semaphore(%run_scoped3A : memref<!tpu.dma_semaphore, #tpu.memory_space<semaphore_mem>>)
      %dma_wait3A_163 = tpu.memref_slice %arg2[%mul3A_2] : memref<32768xi32, #tpu.memory_space<hbm>> -> memref<1024xi32, #tpu.memory_space<hbm>>
      %dma_wait3A_164 = tpu.memref_slice %arg2[%mul3A_2] : memref<32768xi32, #tpu.memory_space<hbm>> -> memref<1024xi32, #tpu.memory_space<hbm>>
      tpu.wait_dma2 semaphore(%run_scoped3A : memref<!tpu.dma_semaphore, #tpu.memory_space<semaphore_mem>>) src(%dma_wait3A_164 : memref<1024xi32, #tpu.memory_space<hbm>>) dst(%arg5 : memref<1024xi32, #tpu.memory_space<vmem>>)
      tpu.yield
    }) : () -> ()
    %dma_start3A = arith.constant 0 : i32
    %dma_start3A_3 = tpu.memref_slice %arg5[%dma_start3A] : memref<1024xi32, #tpu.memory_space<vmem>> -> memref<128xi32, #tpu.memory_space<vmem>>
    %dma_start3A_4 = arith.constant 0 : i32
    %dma_start3A_5 = arith.constant 0 : i32
    %dma_start3A_6 = tpu.memref_slice %arg3[%dma_start3A_4, %dma_start3A_5] : memref<128x128xf32, #tpu.memory_space<hbm>> -> memref<128x128xf32, #tpu.memory_space<hbm>>
    tpu.enqueue_indirect_dma source(%dma_start3A_6 : memref<128x128xf32, #tpu.memory_space<hbm>>) target(%arg6 : memref<128x128xf32, #tpu.memory_space<vmem>>) offsets(%dma_start3A_3 : memref<128xi32, #tpu.memory_space<vmem>>) semaphore(%arg10 : memref<!tpu.dma_semaphore, #tpu.memory_space<semaphore_mem>>)
    %dma_start3A_7 = arith.constant 128 : i32
    %dma_start3A_8 = tpu.memref_slice %arg5[%dma_start3A_7] : memref<1024xi32, #tpu.memory_space<vmem>> -> memref<128xi32, #tpu.memory_space<vmem>>
    %dma_start3A_9 = arith.constant 0 : i32
    %dma_start3A_10 = arith.constant 0 : i32
    %dma_start3A_11 = tpu.memref_slice %arg3[%dma_start3A_9, %dma_start3A_10] : memref<128x128xf32, #tpu.memory_space<hbm>> -> memref<128x128xf32, #tpu.memory_space<hbm>>
    tpu.enqueue_indirect_dma source(%dma_start3A_11 : memref<128x128xf32, #tpu.memory_space<hbm>>) target(%arg7 : memref<128x128xf32, #tpu.memory_space<vmem>>) offsets(%dma_start3A_8 : memref<128xi32, #tpu.memory_space<vmem>>) semaphore(%arg11 : memref<!tpu.dma_semaphore, #tpu.memory_space<semaphore_mem>>)
    %dma_wait3A = arith.constant 0 : i32
    %dma_wait3A_12 = tpu.memref_slice %arg5[%dma_wait3A] : memref<1024xi32, #tpu.memory_space<vmem>> -> memref<128xi32, #tpu.memory_space<vmem>>
    %dma_wait3A_13 = arith.constant 0 : i32
    %dma_wait3A_14 = arith.constant 0 : i32
    %dma_wait3A_15 = tpu.memref_slice %arg3[%dma_wait3A_13, %dma_wait3A_14] : memref<128x128xf32, #tpu.memory_space<hbm>> -> memref<128x128xf32, #tpu.memory_space<hbm>>
    tpu.wait_indirect_dma semaphore(%arg10 : memref<!tpu.dma_semaphore, #tpu.memory_space<semaphore_mem>>) src(%dma_wait3A_15 : memref<128x128xf32, #tpu.memory_space<hbm>>) dst(%arg6 : memref<128x128xf32, #tpu.memory_space<vmem>>)
    %add3A_16 = arith.constant 0 : i32
    %add3A_17 = arith.addi %mul3A_2, %add3A_16 : i32
    %dma_start3A_18 = arith.constant 0 : i32
    %dma_start3A_19 = tpu.memref_slice %arg4[%add3A_17, %dma_start3A_18] : memref<32768x128xf32, #tpu.memory_space<hbm>> -> memref<128x128xf32, #tpu.memory_space<hbm>>
    %dma_start3A_20 = arith.constant 0 : i32
    %dma_start3A_21 = tpu.memref_slice %arg4[%add3A_17, %dma_start3A_20] : memref<32768x128xf32, #tpu.memory_space<hbm>> -> memref<128x128xf32, #tpu.memory_space<hbm>>
    tpu.enqueue_dma source(%arg6 : memref<128x128xf32, #tpu.memory_space<vmem>>) target(%dma_start3A_21 : memref<128x128xf32, #tpu.memory_space<hbm>>) target_semaphore(%arg14 : memref<!tpu.dma_semaphore, #tpu.memory_space<semaphore_mem>>)
    %dma_start3A_22 = arith.constant 256 : i32
    %dma_start3A_23 = tpu.memref_slice %arg5[%dma_start3A_22] : memref<1024xi32, #tpu.memory_space<vmem>> -> memref<128xi32, #tpu.memory_space<vmem>>
    %dma_start3A_24 = arith.constant 0 : i32
    %dma_start3A_25 = arith.constant 0 : i32
    %dma_start3A_26 = tpu.memref_slice %arg3[%dma_start3A_24, %dma_start3A_25] : memref<128x128xf32, #tpu.memory_space<hbm>> -> memref<128x128xf32, #tpu.memory_space<hbm>>
    tpu.enqueue_indirect_dma source(%dma_start3A_26 : memref<128x128xf32, #tpu.memory_space<hbm>>) target(%arg8 : memref<128x128xf32, #tpu.memory_space<vmem>>) offsets(%dma_start3A_23 : memref<128xi32, #tpu.memory_space<vmem>>) semaphore(%arg12 : memref<!tpu.dma_semaphore, #tpu.memory_space<semaphore_mem>>)
    %dma_wait3A_27 = arith.constant 128 : i32
    %dma_wait3A_28 = tpu.memref_slice %arg5[%dma_wait3A_27] : memref<1024xi32, #tpu.memory_space<vmem>> -> memref<128xi32, #tpu.memory_space<vmem>>
    %dma_wait3A_29 = arith.constant 0 : i32
    %dma_wait3A_30 = arith.constant 0 : i32
    %dma_wait3A_31 = tpu.memref_slice %arg3[%dma_wait3A_29, %dma_wait3A_30] : memref<128x128xf32, #tpu.memory_space<hbm>> -> memref<128x128xf32, #tpu.memory_space<hbm>>
    tpu.wait_indirect_dma semaphore(%arg11 : memref<!tpu.dma_semaphore, #tpu.memory_space<semaphore_mem>>) src(%dma_wait3A_31 : memref<128x128xf32, #tpu.memory_space<hbm>>) dst(%arg7 : memref<128x128xf32, #tpu.memory_space<vmem>>)
    %add3A_32 = arith.constant 128 : i32
    %add3A_33 = arith.addi %mul3A_2, %add3A_32 : i32
    %dma_start3A_34 = arith.constant 0 : i32
    %dma_start3A_35 = tpu.memref_slice %arg4[%add3A_33, %dma_start3A_34] : memref<32768x128xf32, #tpu.memory_space<hbm>> -> memref<128x128xf32, #tpu.memory_space<hbm>>
    %dma_start3A_36 = arith.constant 0 : i32
    %dma_start3A_37 = tpu.memref_slice %arg4[%add3A_33, %dma_start3A_36] : memref<32768x128xf32, #tpu.memory_space<hbm>> -> memref<128x128xf32, #tpu.memory_space<hbm>>
    tpu.enqueue_dma source(%arg7 : memref<128x128xf32, #tpu.memory_space<vmem>>) target(%dma_start3A_37 : memref<128x128xf32, #tpu.memory_space<hbm>>) target_semaphore(%arg15 : memref<!tpu.dma_semaphore, #tpu.memory_space<semaphore_mem>>)
    %dma_start3A_38 = arith.constant 384 : i32
    %dma_start3A_39 = tpu.memref_slice %arg5[%dma_start3A_38] : memref<1024xi32, #tpu.memory_space<vmem>> -> memref<128xi32, #tpu.memory_space<vmem>>
    %dma_start3A_40 = arith.constant 0 : i32
    %dma_start3A_41 = arith.constant 0 : i32
    %dma_start3A_42 = tpu.memref_slice %arg3[%dma_start3A_40, %dma_start3A_41] : memref<128x128xf32, #tpu.memory_space<hbm>> -> memref<128x128xf32, #tpu.memory_space<hbm>>
    tpu.enqueue_indirect_dma source(%dma_start3A_42 : memref<128x128xf32, #tpu.memory_space<hbm>>) target(%arg9 : memref<128x128xf32, #tpu.memory_space<vmem>>) offsets(%dma_start3A_39 : memref<128xi32, #tpu.memory_space<vmem>>) semaphore(%arg13 : memref<!tpu.dma_semaphore, #tpu.memory_space<semaphore_mem>>)
    %dma_wait3A_43 = arith.constant 256 : i32
    %dma_wait3A_44 = tpu.memref_slice %arg5[%dma_wait3A_43] : memref<1024xi32, #tpu.memory_space<vmem>> -> memref<128xi32, #tpu.memory_space<vmem>>
    %dma_wait3A_45 = arith.constant 0 : i32
    %dma_wait3A_46 = arith.constant 0 : i32
    %dma_wait3A_47 = tpu.memref_slice %arg3[%dma_wait3A_45, %dma_wait3A_46] : memref<128x128xf32, #tpu.memory_space<hbm>> -> memref<128x128xf32, #tpu.memory_space<hbm>>
    tpu.wait_indirect_dma semaphore(%arg12 : memref<!tpu.dma_semaphore, #tpu.memory_space<semaphore_mem>>) src(%dma_wait3A_47 : memref<128x128xf32, #tpu.memory_space<hbm>>) dst(%arg8 : memref<128x128xf32, #tpu.memory_space<vmem>>)
    %add3A_48 = arith.constant 256 : i32
    %add3A_49 = arith.addi %mul3A_2, %add3A_48 : i32
    %dma_start3A_50 = arith.constant 0 : i32
    %dma_start3A_51 = tpu.memref_slice %arg4[%add3A_49, %dma_start3A_50] : memref<32768x128xf32, #tpu.memory_space<hbm>> -> memref<128x128xf32, #tpu.memory_space<hbm>>
    %dma_start3A_52 = arith.constant 0 : i32
    %dma_start3A_53 = tpu.memref_slice %arg4[%add3A_49, %dma_start3A_52] : memref<32768x128xf32, #tpu.memory_space<hbm>> -> memref<128x128xf32, #tpu.memory_space<hbm>>
    tpu.enqueue_dma source(%arg8 : memref<128x128xf32, #tpu.memory_space<vmem>>) target(%dma_start3A_53 : memref<128x128xf32, #tpu.memory_space<hbm>>) target_semaphore(%arg16 : memref<!tpu.dma_semaphore, #tpu.memory_space<semaphore_mem>>)
    %dma_wait3A_54 = arith.constant 0 : i32
    %dma_wait3A_55 = tpu.memref_slice %arg4[%add3A_17, %dma_wait3A_54] : memref<32768x128xf32, #tpu.memory_space<hbm>> -> memref<128x128xf32, #tpu.memory_space<hbm>>
    %dma_wait3A_56 = arith.constant 0 : i32
    %dma_wait3A_57 = tpu.memref_slice %arg4[%add3A_17, %dma_wait3A_56] : memref<32768x128xf32, #tpu.memory_space<hbm>> -> memref<128x128xf32, #tpu.memory_space<hbm>>
    tpu.wait_dma2 semaphore(%arg14 : memref<!tpu.dma_semaphore, #tpu.memory_space<semaphore_mem>>) src(%arg6 : memref<128x128xf32, #tpu.memory_space<vmem>>) dst(%dma_wait3A_57 : memref<128x128xf32, #tpu.memory_space<hbm>>)
    %dma_start3A_58 = arith.constant 512 : i32
    %dma_start3A_59 = tpu.memref_slice %arg5[%dma_start3A_58] : memref<1024xi32, #tpu.memory_space<vmem>> -> memref<128xi32, #tpu.memory_space<vmem>>
    %dma_start3A_60 = arith.constant 0 : i32
    %dma_start3A_61 = arith.constant 0 : i32
    %dma_start3A_62 = tpu.memref_slice %arg3[%dma_start3A_60, %dma_start3A_61] : memref<128x128xf32, #tpu.memory_space<hbm>> -> memref<128x128xf32, #tpu.memory_space<hbm>>
    tpu.enqueue_indirect_dma source(%dma_start3A_62 : memref<128x128xf32, #tpu.memory_space<hbm>>) target(%arg6 : memref<128x128xf32, #tpu.memory_space<vmem>>) offsets(%dma_start3A_59 : memref<128xi32, #tpu.memory_space<vmem>>) semaphore(%arg10 : memref<!tpu.dma_semaphore, #tpu.memory_space<semaphore_mem>>)
    %dma_wait3A_63 = arith.constant 384 : i32
    %dma_wait3A_64 = tpu.memref_slice %arg5[%dma_wait3A_63] : memref<1024xi32, #tpu.memory_space<vmem>> -> memref<128xi32, #tpu.memory_space<vmem>>
    %dma_wait3A_65 = arith.constant 0 : i32
    %dma_wait3A_66 = arith.constant 0 : i32
    %dma_wait3A_67 = tpu.memref_slice %arg3[%dma_wait3A_65, %dma_wait3A_66] : memref<128x128xf32, #tpu.memory_space<hbm>> -> memref<128x128xf32, #tpu.memory_space<hbm>>
    tpu.wait_indirect_dma semaphore(%arg13 : memref<!tpu.dma_semaphore, #tpu.memory_space<semaphore_mem>>) src(%dma_wait3A_67 : memref<128x128xf32, #tpu.memory_space<hbm>>) dst(%arg9 : memref<128x128xf32, #tpu.memory_space<vmem>>)
    %add3A_68 = arith.constant 384 : i32
    %add3A_69 = arith.addi %mul3A_2, %add3A_68 : i32
    %dma_start3A_70 = arith.constant 0 : i32
    %dma_start3A_71 = tpu.memref_slice %arg4[%add3A_69, %dma_start3A_70] : memref<32768x128xf32, #tpu.memory_space<hbm>> -> memref<128x128xf32, #tpu.memory_space<hbm>>
    %dma_start3A_72 = arith.constant 0 : i32
    %dma_start3A_73 = tpu.memref_slice %arg4[%add3A_69, %dma_start3A_72] : memref<32768x128xf32, #tpu.memory_space<hbm>> -> memref<128x128xf32, #tpu.memory_space<hbm>>
    tpu.enqueue_dma source(%arg9 : memref<128x128xf32, #tpu.memory_space<vmem>>) target(%dma_start3A_73 : memref<128x128xf32, #tpu.memory_space<hbm>>) target_semaphore(%arg17 : memref<!tpu.dma_semaphore, #tpu.memory_space<semaphore_mem>>)
    %dma_wait3A_74 = arith.constant 0 : i32
    %dma_wait3A_75 = tpu.memref_slice %arg4[%add3A_33, %dma_wait3A_74] : memref<32768x128xf32, #tpu.memory_space<hbm>> -> memref<128x128xf32, #tpu.memory_space<hbm>>
    %dma_wait3A_76 = arith.constant 0 : i32
    %dma_wait3A_77 = tpu.memref_slice %arg4[%add3A_33, %dma_wait3A_76] : memref<32768x128xf32, #tpu.memory_space<hbm>> -> memref<128x128xf32, #tpu.memory_space<hbm>>
    tpu.wait_dma2 semaphore(%arg15 : memref<!tpu.dma_semaphore, #tpu.memory_space<semaphore_mem>>) src(%arg7 : memref<128x128xf32, #tpu.memory_space<vmem>>) dst(%dma_wait3A_77 : memref<128x128xf32, #tpu.memory_space<hbm>>)
    %dma_start3A_78 = arith.constant 640 : i32
    %dma_start3A_79 = tpu.memref_slice %arg5[%dma_start3A_78] : memref<1024xi32, #tpu.memory_space<vmem>> -> memref<128xi32, #tpu.memory_space<vmem>>
    %dma_start3A_80 = arith.constant 0 : i32
    %dma_start3A_81 = arith.constant 0 : i32
    %dma_start3A_82 = tpu.memref_slice %arg3[%dma_start3A_80, %dma_start3A_81] : memref<128x128xf32, #tpu.memory_space<hbm>> -> memref<128x128xf32, #tpu.memory_space<hbm>>
    tpu.enqueue_indirect_dma source(%dma_start3A_82 : memref<128x128xf32, #tpu.memory_space<hbm>>) target(%arg7 : memref<128x128xf32, #tpu.memory_space<vmem>>) offsets(%dma_start3A_79 : memref<128xi32, #tpu.memory_space<vmem>>) semaphore(%arg11 : memref<!tpu.dma_semaphore, #tpu.memory_space<semaphore_mem>>)
    %dma_wait3A_83 = arith.constant 512 : i32
    %dma_wait3A_84 = tpu.memref_slice %arg5[%dma_wait3A_83] : memref<1024xi32, #tpu.memory_space<vmem>> -> memref<128xi32, #tpu.memory_space<vmem>>
    %dma_wait3A_85 = arith.constant 0 : i32
    %dma_wait3A_86 = arith.constant 0 : i32
    %dma_wait3A_87 = tpu.memref_slice %arg3[%dma_wait3A_85, %dma_wait3A_86] : memref<128x128xf32, #tpu.memory_space<hbm>> -> memref<128x128xf32, #tpu.memory_space<hbm>>
    tpu.wait_indirect_dma semaphore(%arg10 : memref<!tpu.dma_semaphore, #tpu.memory_space<semaphore_mem>>) src(%dma_wait3A_87 : memref<128x128xf32, #tpu.memory_space<hbm>>) dst(%arg6 : memref<128x128xf32, #tpu.memory_space<vmem>>)
    %add3A_88 = arith.constant 512 : i32
    %add3A_89 = arith.addi %mul3A_2, %add3A_88 : i32
    %dma_start3A_90 = arith.constant 0 : i32
    %dma_start3A_91 = tpu.memref_slice %arg4[%add3A_89, %dma_start3A_90] : memref<32768x128xf32, #tpu.memory_space<hbm>> -> memref<128x128xf32, #tpu.memory_space<hbm>>
    %dma_start3A_92 = arith.constant 0 : i32
    %dma_start3A_93 = tpu.memref_slice %arg4[%add3A_89, %dma_start3A_92] : memref<32768x128xf32, #tpu.memory_space<hbm>> -> memref<128x128xf32, #tpu.memory_space<hbm>>
    tpu.enqueue_dma source(%arg6 : memref<128x128xf32, #tpu.memory_space<vmem>>) target(%dma_start3A_93 : memref<128x128xf32, #tpu.memory_space<hbm>>) target_semaphore(%arg14 : memref<!tpu.dma_semaphore, #tpu.memory_space<semaphore_mem>>)
    %dma_wait3A_94 = arith.constant 0 : i32
    %dma_wait3A_95 = tpu.memref_slice %arg4[%add3A_49, %dma_wait3A_94] : memref<32768x128xf32, #tpu.memory_space<hbm>> -> memref<128x128xf32, #tpu.memory_space<hbm>>
    %dma_wait3A_96 = arith.constant 0 : i32
    %dma_wait3A_97 = tpu.memref_slice %arg4[%add3A_49, %dma_wait3A_96] : memref<32768x128xf32, #tpu.memory_space<hbm>> -> memref<128x128xf32, #tpu.memory_space<hbm>>
    tpu.wait_dma2 semaphore(%arg16 : memref<!tpu.dma_semaphore, #tpu.memory_space<semaphore_mem>>) src(%arg8 : memref<128x128xf32, #tpu.memory_space<vmem>>) dst(%dma_wait3A_97 : memref<128x128xf32, #tpu.memory_space<hbm>>)
    %dma_start3A_98 = arith.constant 768 : i32
    %dma_start3A_99 = tpu.memref_slice %arg5[%dma_start3A_98] : memref<1024xi32, #tpu.memory_space<vmem>> -> memref<128xi32, #tpu.memory_space<vmem>>
    %dma_start3A_100 = arith.constant 0 : i32
    %dma_start3A_101 = arith.constant 0 : i32
    %dma_start3A_102 = tpu.memref_slice %arg3[%dma_start3A_100, %dma_start3A_101] : memref<128x128xf32, #tpu.memory_space<hbm>> -> memref<128x128xf32, #tpu.memory_space<hbm>>
    tpu.enqueue_indirect_dma source(%dma_start3A_102 : memref<128x128xf32, #tpu.memory_space<hbm>>) target(%arg8 : memref<128x128xf32, #tpu.memory_space<vmem>>) offsets(%dma_start3A_99 : memref<128xi32, #tpu.memory_space<vmem>>) semaphore(%arg12 : memref<!tpu.dma_semaphore, #tpu.memory_space<semaphore_mem>>)
    %dma_wait3A_103 = arith.constant 640 : i32
    %dma_wait3A_104 = tpu.memref_slice %arg5[%dma_wait3A_103] : memref<1024xi32, #tpu.memory_space<vmem>> -> memref<128xi32, #tpu.memory_space<vmem>>
    %dma_wait3A_105 = arith.constant 0 : i32
    %dma_wait3A_106 = arith.constant 0 : i32
    %dma_wait3A_107 = tpu.memref_slice %arg3[%dma_wait3A_105, %dma_wait3A_106] : memref<128x128xf32, #tpu.memory_space<hbm>> -> memref<128x128xf32, #tpu.memory_space<hbm>>
    tpu.wait_indirect_dma semaphore(%arg11 : memref<!tpu.dma_semaphore, #tpu.memory_space<semaphore_mem>>) src(%dma_wait3A_107 : memref<128x128xf32, #tpu.memory_space<hbm>>) dst(%arg7 : memref<128x128xf32, #tpu.memory_space<vmem>>)
    %add3A_108 = arith.constant 640 : i32
    %add3A_109 = arith.addi %mul3A_2, %add3A_108 : i32
    %dma_start3A_110 = arith.constant 0 : i32
    %dma_start3A_111 = tpu.memref_slice %arg4[%add3A_109, %dma_start3A_110] : memref<32768x128xf32, #tpu.memory_space<hbm>> -> memref<128x128xf32, #tpu.memory_space<hbm>>
    %dma_start3A_112 = arith.constant 0 : i32
    %dma_start3A_113 = tpu.memref_slice %arg4[%add3A_109, %dma_start3A_112] : memref<32768x128xf32, #tpu.memory_space<hbm>> -> memref<128x128xf32, #tpu.memory_space<hbm>>
    tpu.enqueue_dma source(%arg7 : memref<128x128xf32, #tpu.memory_space<vmem>>) target(%dma_start3A_113 : memref<128x128xf32, #tpu.memory_space<hbm>>) target_semaphore(%arg15 : memref<!tpu.dma_semaphore, #tpu.memory_space<semaphore_mem>>)
    %dma_wait3A_114 = arith.constant 0 : i32
    %dma_wait3A_115 = tpu.memref_slice %arg4[%add3A_69, %dma_wait3A_114] : memref<32768x128xf32, #tpu.memory_space<hbm>> -> memref<128x128xf32, #tpu.memory_space<hbm>>
    %dma_wait3A_116 = arith.constant 0 : i32
    %dma_wait3A_117 = tpu.memref_slice %arg4[%add3A_69, %dma_wait3A_116] : memref<32768x128xf32, #tpu.memory_space<hbm>> -> memref<128x128xf32, #tpu.memory_space<hbm>>
    tpu.wait_dma2 semaphore(%arg17 : memref<!tpu.dma_semaphore, #tpu.memory_space<semaphore_mem>>) src(%arg9 : memref<128x128xf32, #tpu.memory_space<vmem>>) dst(%dma_wait3A_117 : memref<128x128xf32, #tpu.memory_space<hbm>>)
    %dma_start3A_118 = arith.constant 896 : i32
    %dma_start3A_119 = tpu.memref_slice %arg5[%dma_start3A_118] : memref<1024xi32, #tpu.memory_space<vmem>> -> memref<128xi32, #tpu.memory_space<vmem>>
    %dma_start3A_120 = arith.constant 0 : i32
    %dma_start3A_121 = arith.constant 0 : i32
    %dma_start3A_122 = tpu.memref_slice %arg3[%dma_start3A_120, %dma_start3A_121] : memref<128x128xf32, #tpu.memory_space<hbm>> -> memref<128x128xf32, #tpu.memory_space<hbm>>
    tpu.enqueue_indirect_dma source(%dma_start3A_122 : memref<128x128xf32, #tpu.memory_space<hbm>>) target(%arg9 : memref<128x128xf32, #tpu.memory_space<vmem>>) offsets(%dma_start3A_119 : memref<128xi32, #tpu.memory_space<vmem>>) semaphore(%arg13 : memref<!tpu.dma_semaphore, #tpu.memory_space<semaphore_mem>>)
    %dma_wait3A_123 = arith.constant 768 : i32
    %dma_wait3A_124 = tpu.memref_slice %arg5[%dma_wait3A_123] : memref<1024xi32, #tpu.memory_space<vmem>> -> memref<128xi32, #tpu.memory_space<vmem>>
    %dma_wait3A_125 = arith.constant 0 : i32
    %dma_wait3A_126 = arith.constant 0 : i32
    %dma_wait3A_127 = tpu.memref_slice %arg3[%dma_wait3A_125, %dma_wait3A_126] : memref<128x128xf32, #tpu.memory_space<hbm>> -> memref<128x128xf32, #tpu.memory_space<hbm>>
    tpu.wait_indirect_dma semaphore(%arg12 : memref<!tpu.dma_semaphore, #tpu.memory_space<semaphore_mem>>) src(%dma_wait3A_127 : memref<128x128xf32, #tpu.memory_space<hbm>>) dst(%arg8 : memref<128x128xf32, #tpu.memory_space<vmem>>)
    %add3A_128 = arith.constant 768 : i32
    %add3A_129 = arith.addi %mul3A_2, %add3A_128 : i32
    %dma_start3A_130 = arith.constant 0 : i32
    %dma_start3A_131 = tpu.memref_slice %arg4[%add3A_129, %dma_start3A_130] : memref<32768x128xf32, #tpu.memory_space<hbm>> -> memref<128x128xf32, #tpu.memory_space<hbm>>
    %dma_start3A_132 = arith.constant 0 : i32
    %dma_start3A_133 = tpu.memref_slice %arg4[%add3A_129, %dma_start3A_132] : memref<32768x128xf32, #tpu.memory_space<hbm>> -> memref<128x128xf32, #tpu.memory_space<hbm>>
    tpu.enqueue_dma source(%arg8 : memref<128x128xf32, #tpu.memory_space<vmem>>) target(%dma_start3A_133 : memref<128x128xf32, #tpu.memory_space<hbm>>) target_semaphore(%arg16 : memref<!tpu.dma_semaphore, #tpu.memory_space<semaphore_mem>>)
    %dma_wait3A_134 = arith.constant 896 : i32
    %dma_wait3A_135 = tpu.memref_slice %arg5[%dma_wait3A_134] : memref<1024xi32, #tpu.memory_space<vmem>> -> memref<128xi32, #tpu.memory_space<vmem>>
    %dma_wait3A_136 = arith.constant 0 : i32
    %dma_wait3A_137 = arith.constant 0 : i32
    %dma_wait3A_138 = tpu.memref_slice %arg3[%dma_wait3A_136, %dma_wait3A_137] : memref<128x128xf32, #tpu.memory_space<hbm>> -> memref<128x128xf32, #tpu.memory_space<hbm>>
    tpu.wait_indirect_dma semaphore(%arg13 : memref<!tpu.dma_semaphore, #tpu.memory_space<semaphore_mem>>) src(%dma_wait3A_138 : memref<128x128xf32, #tpu.memory_space<hbm>>) dst(%arg9 : memref<128x128xf32, #tpu.memory_space<vmem>>)
    %add3A_139 = arith.constant 896 : i32
    %add3A_140 = arith.addi %mul3A_2, %add3A_139 : i32
    %dma_start3A_141 = arith.constant 0 : i32
    %dma_start3A_142 = tpu.memref_slice %arg4[%add3A_140, %dma_start3A_141] : memref<32768x128xf32, #tpu.memory_space<hbm>> -> memref<128x128xf32, #tpu.memory_space<hbm>>
    %dma_start3A_143 = arith.constant 0 : i32
    %dma_start3A_144 = tpu.memref_slice %arg4[%add3A_140, %dma_start3A_143] : memref<32768x128xf32, #tpu.memory_space<hbm>> -> memref<128x128xf32, #tpu.memory_space<hbm>>
    tpu.enqueue_dma source(%arg9 : memref<128x128xf32, #tpu.memory_space<vmem>>) target(%dma_start3A_144 : memref<128x128xf32, #tpu.memory_space<hbm>>) target_semaphore(%arg17 : memref<!tpu.dma_semaphore, #tpu.memory_space<semaphore_mem>>)
    %dma_wait3A_145 = arith.constant 0 : i32
    %dma_wait3A_146 = tpu.memref_slice %arg4[%add3A_89, %dma_wait3A_145] : memref<32768x128xf32, #tpu.memory_space<hbm>> -> memref<128x128xf32, #tpu.memory_space<hbm>>
    %dma_wait3A_147 = arith.constant 0 : i32
    %dma_wait3A_148 = tpu.memref_slice %arg4[%add3A_89, %dma_wait3A_147] : memref<32768x128xf32, #tpu.memory_space<hbm>> -> memref<128x128xf32, #tpu.memory_space<hbm>>
    tpu.wait_dma2 semaphore(%arg14 : memref<!tpu.dma_semaphore, #tpu.memory_space<semaphore_mem>>) src(%arg6 : memref<128x128xf32, #tpu.memory_space<vmem>>) dst(%dma_wait3A_148 : memref<128x128xf32, #tpu.memory_space<hbm>>)
    %dma_wait3A_149 = arith.constant 0 : i32
    %dma_wait3A_150 = tpu.memref_slice %arg4[%add3A_109, %dma_wait3A_149] : memref<32768x128xf32, #tpu.memory_space<hbm>> -> memref<128x128xf32, #tpu.memory_space<hbm>>
    %dma_wait3A_151 = arith.constant 0 : i32
    %dma_wait3A_152 = tpu.memref_slice %arg4[%add3A_109, %dma_wait3A_151] : memref<32768x128xf32, #tpu.memory_space<hbm>> -> memref<128x128xf32, #tpu.memory_space<hbm>>
    tpu.wait_dma2 semaphore(%arg15 : memref<!tpu.dma_semaphore, #tpu.memory_space<semaphore_mem>>) src(%arg7 : memref<128x128xf32, #tpu.memory_space<vmem>>) dst(%dma_wait3A_152 : memref<128x128xf32, #tpu.memory_space<hbm>>)
    %dma_wait3A_153 = arith.constant 0 : i32
    %dma_wait3A_154 = tpu.memref_slice %arg4[%add3A_129, %dma_wait3A_153] : memref<32768x128xf32, #tpu.memory_space<hbm>> -> memref<128x128xf32, #tpu.memory_space<hbm>>
    %dma_wait3A_155 = arith.constant 0 : i32
    %dma_wait3A_156 = tpu.memref_slice %arg4[%add3A_129, %dma_wait3A_155] : memref<32768x128xf32, #tpu.memory_space<hbm>> -> memref<128x128xf32, #tpu.memory_space<hbm>>
    tpu.wait_dma2 semaphore(%arg16 : memref<!tpu.dma_semaphore, #tpu.memory_space<semaphore_mem>>) src(%arg8 : memref<128x128xf32, #tpu.memory_space<vmem>>) dst(%dma_wait3A_156 : memref<128x128xf32, #tpu.memory_space<hbm>>)
    %dma_wait3A_157 = arith.constant 0 : i32
    %dma_wait3A_158 = tpu.memref_slice %arg4[%add3A_140, %dma_wait3A_157] : memref<32768x128xf32, #tpu.memory_space<hbm>> -> memref<128x128xf32, #tpu.memory_space<hbm>>
    %dma_wait3A_159 = arith.constant 0 : i32
    %dma_wait3A_160 = tpu.memref_slice %arg4[%add3A_140, %dma_wait3A_159] : memref<32768x128xf32, #tpu.memory_space<hbm>> -> memref<128x128xf32, #tpu.memory_space<hbm>>
    tpu.wait_dma2 semaphore(%arg17 : memref<!tpu.dma_semaphore, #tpu.memory_space<semaphore_mem>>) src(%arg9 : memref<128x128xf32, #tpu.memory_space<vmem>>) dst(%dma_wait3A_160 : memref<128x128xf32, #tpu.memory_space<hbm>>)
    return
  }
}

module attributes {stable_mosaic.version = 14 : i64} {
  func.func @_tables_body(%arg0: memref<128x128xf32, #tpu.memory_space<vmem>>, %arg1: memref<128x128xf32, #tpu.memory_space<vmem>>, %arg2: memref<1x128xf32, #tpu.memory_space<vmem>>, %arg3: memref<128x128xf32, #tpu.memory_space<vmem>>, %arg4: memref<1x128xf32, #tpu.memory_space<vmem>>, %arg5: memref<128x128xf32, #tpu.memory_space<vmem>>, %arg6: memref<128x128xf32, #tpu.memory_space<vmem>>) attributes {dimension_semantics = [], scalar_prefetch = 0 : i64, scratch_operands = 0 : i64, tpu.core_type = #tpu.core_type<tc>} {
    %get3A = arith.constant 0 : index
    %get3A_0 = arith.constant 0 : index
    %get3A_1 = vector.load %arg0[%get3A, %get3A_0] : memref<128x128xf32, #tpu.memory_space<vmem>>, vector<128x128xf32>
    %get3A_2 = arith.constant 0 : index
    %get3A_3 = arith.constant 0 : index
    %get3A_4 = vector.load %arg1[%get3A_2, %get3A_3] : memref<128x128xf32, #tpu.memory_space<vmem>>, vector<128x128xf32>
    %dot_general3A = arith.constant dense<0.000000e+00> : vector<128x128xf32>
    %dot_general3A_5 = tpu.matmul %get3A_1, %get3A_4, %dot_general3A {dimension_numbers = #tpu.dot_dimension_numbers<[1], [0], [0], [1], [0, 0, 1, 1], [], []>, transpose_lhs_hint = false} : vector<128x128xf32>, vector<128x128xf32>, vector<128x128xf32> -> vector<128x128xf32>
    %get3A_6 = arith.constant 0 : index
    %get3A_7 = arith.constant 0 : index
    %get3A_8 = vector.load %arg2[%get3A_6, %get3A_7] : memref<1x128xf32, #tpu.memory_space<vmem>>, vector<1x128xf32>
    %get3A_9 = vector.shape_cast %get3A_8 : vector<1x128xf32> to vector<128xf32>
    %broadcast_in_dim3A = vector.shape_cast %get3A_9 : vector<128xf32> to vector<1x128xf32>
    %add3A = vector.broadcast %broadcast_in_dim3A : vector<1x128xf32> to vector<128x128xf32>
    %add3A_10 = arith.addf %dot_general3A_5, %add3A : vector<128x128xf32>
    %swap3A = arith.constant 0 : index
    %swap3A_11 = arith.constant 0 : index
    %swap3A_12 = vector.load %arg5[%swap3A, %swap3A_11] : memref<128x128xf32, #tpu.memory_space<vmem>>, vector<128x128xf32>
    tpu.vector_store %arg5[%swap3A, %swap3A_11], %add3A_10 {strides = array<i32>} : memref<128x128xf32, #tpu.memory_space<vmem>>, vector<128x128xf32>,
    %get3A_13 = arith.constant 0 : index
    %get3A_14 = arith.constant 0 : index
    %get3A_15 = vector.load %arg3[%get3A_13, %get3A_14] : memref<128x128xf32, #tpu.memory_space<vmem>>, vector<128x128xf32>
    %dot_general3A_16 = arith.constant dense<0.000000e+00> : vector<128x128xf32>
    %dot_general3A_17 = tpu.matmul %add3A_10, %get3A_15, %dot_general3A_16 {dimension_numbers = #tpu.dot_dimension_numbers<[1], [0], [0], [1], [0, 0, 1, 1], [], []>, transpose_lhs_hint = false} : vector<128x128xf32>, vector<128x128xf32>, vector<128x128xf32> -> vector<128x128xf32>
    %get3A_18 = arith.constant 0 : index
    %get3A_19 = arith.constant 0 : index
    %get3A_20 = vector.load %arg4[%get3A_18, %get3A_19] : memref<1x128xf32, #tpu.memory_space<vmem>>, vector<1x128xf32>
    %get3A_21 = vector.shape_cast %get3A_20 : vector<1x128xf32> to vector<128xf32>
    %broadcast_in_dim3A_22 = vector.shape_cast %get3A_21 : vector<128xf32> to vector<1x128xf32>
    %add3A_23 = vector.broadcast %broadcast_in_dim3A_22 : vector<1x128xf32> to vector<128x128xf32>
    %add3A_24 = arith.addf %dot_general3A_17, %add3A_23 : vector<128x128xf32>
    %swap3A_25 = arith.constant 0 : index
    %swap3A_26 = arith.constant 0 : index
    %swap3A_27 = vector.load %arg6[%swap3A_25, %swap3A_26] : memref<128x128xf32, #tpu.memory_space<vmem>>, vector<128x128xf32>
    tpu.vector_store %arg6[%swap3A_25, %swap3A_26], %add3A_24 {strides = array<i32>} : memref<128x128xf32, #tpu.memory_space<vmem>>, vector<128x128xf32>,
    return
  }
}

module attributes {stable_mosaic.version = 14 : i64} {
  func.func @_hid_body(%arg0: i32, %arg1: memref<4x1024xi32, #tpu.memory_space<vmem>>, %arg2: memref<128x128xf32, #tpu.memory_space<vmem>>, %arg3: memref<128x128xf32, #tpu.memory_space<vmem>>, %arg4: memref<4x1024x128xf32, #tpu.memory_space<vmem>>, %arg5: memref<4x1024x128xf32, #tpu.memory_space<vmem>>) attributes {dimension_semantics = [#tpu.dimension_semantics<arbitrary>], iteration_bounds = array<i64: 8>, scalar_prefetch = 0 : i64, scratch_operands = 0 : i64, tpu.core_type = #tpu.core_type<tc>, window_params = [{transform_indices = @transform_0, window_bounds = array<i64: 4, 1024>}, {pipeline_mode = #tpu.pipeline_mode<synchronous>, transform_indices = @transform_1, window_bounds = array<i64: 128, 128>}, {pipeline_mode = #tpu.pipeline_mode<synchronous>, transform_indices = @transform_2, window_bounds = array<i64: 128, 128>}, {transform_indices = @transform_3, window_bounds = array<i64: 4, 1024, 128>}, {transform_indices = @transform_4, window_bounds = array<i64: 4, 1024, 128>}]} {
    %get3A = arith.constant 0 : index
    %get3A_0 = arith.constant 0 : index
    %get3A_1 = vector.load %arg1[%get3A, %get3A_0] : memref<4x1024xi32, #tpu.memory_space<vmem>>, vector<4x1024xi32>
    %iota3A = tpu.iota {dimensions = array<i32: 2>} : vector<4x1024x128xi32>
    %broadcast_in_dim3A = vector.shape_cast %get3A_1 : vector<4x1024xi32> to vector<4x1024x1xi32>
    %eq3A = vector.broadcast %broadcast_in_dim3A : vector<4x1024x1xi32> to vector<4x1024x128xi32>
    %eq3A_2 = arith.cmpi eq, %eq3A, %iota3A : vector<4x1024x128xi32>
    %convert_element_type3A = arith.extui %eq3A_2 : vector<4x1024x128xi1> to vector<4x1024x128xi32>
    %convert_element_type3A_3 = arith.sitofp %convert_element_type3A : vector<4x1024x128xi32> to vector<4x1024x128xf32>
    %get3A_4 = arith.constant 0 : index
    %get3A_5 = arith.constant 0 : index
    %get3A_6 = vector.load %arg2[%get3A_4, %get3A_5] : memref<128x128xf32, #tpu.memory_space<vmem>>, vector<128x128xf32>
    %dot_general3A = arith.constant dense<0.000000e+00> : vector<4x1024x128xf32>
    %dot_general3A_7 = tpu.matmul %convert_element_type3A_3, %get3A_6, %dot_general3A {dimension_numbers = #tpu.dot_dimension_numbers<[2], [0], [0, 1], [1], [0, 0, 0, 1, 1, 1], [], []>, transpose_lhs_hint = false} : vector<4x1024x128xf32>, vector<128x128xf32>, vector<4x1024x128xf32> -> vector<4x1024x128xf32>
    %swap3A = arith.constant 0 : index
    %swap3A_8 = arith.constant 0 : index
    %swap3A_9 = arith.constant 0 : index
    %swap3A_10 = vector.load %arg4[%swap3A, %swap3A_8, %swap3A_9] : memref<4x1024x128xf32, #tpu.memory_space<vmem>>, vector<4x1024x128xf32>
    tpu.vector_store %arg4[%swap3A, %swap3A_8, %swap3A_9], %dot_general3A_7 {strides = array<i32>} : memref<4x1024x128xf32, #tpu.memory_space<vmem>>, vector<4x1024x128xf32>,
    %get3A_11 = arith.constant 0 : index
    %get3A_12 = arith.constant 0 : index
    %get3A_13 = vector.load %arg3[%get3A_11, %get3A_12] : memref<128x128xf32, #tpu.memory_space<vmem>>, vector<128x128xf32>
    %dot_general3A_14 = arith.constant dense<0.000000e+00> : vector<4x1024x128xf32>
    %dot_general3A_15 = tpu.matmul %convert_element_type3A_3, %get3A_13, %dot_general3A_14 {dimension_numbers = #tpu.dot_dimension_numbers<[2], [0], [0, 1], [1], [0, 0, 0, 1, 1, 1], [], []>, transpose_lhs_hint = false} : vector<4x1024x128xf32>, vector<128x128xf32>, vector<4x1024x128xf32> -> vector<4x1024x128xf32>
    %swap3A_16 = arith.constant 0 : index
    %swap3A_17 = arith.constant 0 : index
    %swap3A_18 = arith.constant 0 : index
    %swap3A_19 = vector.load %arg5[%swap3A_16, %swap3A_17, %swap3A_18] : memref<4x1024x128xf32, #tpu.memory_space<vmem>>, vector<4x1024x128xf32>
    tpu.vector_store %arg5[%swap3A_16, %swap3A_17, %swap3A_18], %dot_general3A_15 {strides = array<i32>} : memref<4x1024x128xf32, #tpu.memory_space<vmem>>, vector<4x1024x128xf32>,
    return
  }
  func.func @transform_0(%arg0: i32) -> (i32, i32) {
    %c0_i32 = arith.constant 0 : i32
    %c0_i32_0 = arith.constant 0 : i32
    return %c0_i32, %arg0 : i32, i32
  }
  func.func @transform_1(%arg0: i32) -> (i32, i32) {
    %c0_i32 = arith.constant 0 : i32
    %c0_i32_0 = arith.constant 0 : i32
    %c0_i32_1 = arith.constant 0 : i32
    return %c0_i32, %c0_i32_0 : i32, i32
  }
  func.func @transform_2(%arg0: i32) -> (i32, i32) {
    %c0_i32 = arith.constant 0 : i32
    %c0_i32_0 = arith.constant 0 : i32
    %c0_i32_1 = arith.constant 0 : i32
    return %c0_i32, %c0_i32_0 : i32, i32
  }
  func.func @transform_3(%arg0: i32) -> (i32, i32, i32) {
    %c0_i32 = arith.constant 0 : i32
    %c0_i32_0 = arith.constant 0 : i32
    %c0_i32_1 = arith.constant 0 : i32
    return %c0_i32, %arg0, %c0_i32_0 : i32, i32, i32
  }
  func.func @transform_4(%arg0: i32) -> (i32, i32, i32) {
    %c0_i32 = arith.constant 0 : i32
    %c0_i32_0 = arith.constant 0 : i32
    %c0_i32_1 = arith.constant 0 : i32
    return %c0_i32, %arg0, %c0_i32_0 : i32, i32, i32
  }
}

</mosaic_0001>

<sc_bundles>
// kernel: kernel.5.cloned.1.call-start
scs
__scs_entry_jumppad:
0x0: {  	(pc) =	sbr.rel $0x88, $3  }
0x1: {  	(tag) =	ssettag $0x0;
	lr =	simm.s32 $0x1  }
0x2: {  	[smem:$0x3F9B] =	sst lr;
	_ =	strace $0xD0000000  }
0x3: {  	_ = 	snop  }
0x4: {  	_ = 	snop  }
0x5: {  	_ = 	snop  }
0x6: {  	_ = 	snop  }
0x7: {  	_ = 	snop  }
__scs_overlays_trampoline_lowered:
0x8: {  	[smem:$0x3FAA] =	sst s0  }
0x9: {  	[smem:$0x3FAB] =	sst s1  }
0xa: {  	[smem:$0x3FAC] =	sst s2  }
0xb: {  	[smem:$0x3FAD] =	sst s3  }
0xc: {  	[smem:$0x3FAE] =	sst s4  }
0xd: {  	[smem:$0x3FAF] =	sst s5  }
0xe: {  	[smem:$0x3FB0] =	sst s6  }
0xf: {  	[smem:$0x3FB1] =	sst s7  }
0x10: {  	[smem:$0x3FB2] =	sst s8  }
0x11: {  	[smem:$0x3FB3] =	sst s9;
	s0 =	simm.s32 @!p0 $0x0  }
0x12: {  	s1 =	sld [smem:$0x3F99];
	s0 =	simm.s32 @p0 $0x1  }
0x13: {  	[smem:$0x3FB4] =	sst s0;
	s0 =	simm.s32 @!p1 $0x0  }
0x14: {  	s2 =	sld [smem:$0x3F98];
	s0 =	simm.s32 @p1 $0x1  }
0x15: {  	[smem:$0x3FB5] =	sst s0;
	s0 =	simm.s32 @!p2 $0x0  }
0x16: {  	s3 =	sld [smem:$0x3FDB];
	s0 =	simm.s32 @p2 $0x1  }
0x17: {  	s4 =	simm.s32 $0x1BF5;
	[smem:$0x3FB7] =	sst s0  }
0x18: {  	s0 =	sld [smem:$0x3F9A];
	_ =	swait.ge [sflag:s4], $0x0  }
0x19: {  	s7 =	sld [smem:$0x3F9B]  }
0x1a: {  	s8 =	sadd.s32 $0xFFFFE003, lr  }
0x1b: {  	s9 =	sadd.s32 $0xFFFFFEF7, lr;
	s5 =	simm.s32 $0xFFFFFFFF;
	p2 =	slt.u32 s8, $0xFFFFF086  }
0x1c: {  	p1 =	slt.u32 s9, $0xF7A;
	s5 =	simm.s32 @!p2 $0x0  }
0x1d: {  	s5 =	simm.s32 @p1 $0x1;
	p0 =	seq.s32 s7, s2  }
0x1e: {  	s7 =	smul.u32 @!p0 $0xF7A, s2;
	p2 =	seq.s32 @!p0 s5, $0x0  }
0x1f: {  	s9 =	smul.u32 $0xF7A, s1;
	s8 =	simm.s32 @!p0 $0x1BF5;
	p2 =	por !p2, p0  }
0x20: {  	[sflag:s8] =	ssyncset.s32 @!p0 $0xFFFFF086;
	s6 =	sadd.s32 @!p0 s3, s7;
	s7 =	simm.s32 @!p0 $0x108  }
0x21: {  	s3 =	sadd.s32 s3, s9;
	s6 =	sadd.s32 @!p0 $0x88, s6;
	s7 =	simm.s32 @p2 $0x1082  }
0x22: {  	[simem:s7], [sflag:s8] =	dma.local @!p0 [hbm:s6], $0xF7A  }
0x23: {  	s9 =	sor.u32 $0xD0000000, s2;
	s6 =	simm.s32 $0x108;
	_ =	swait.ge @!p0 [sflag:s8], $0x0  }
0x24: {  	s3 =	sadd.s32 $0x88, s3;
	s6 =	simm.s32 @!p1 $0x1082;
	[sflag:s4] =	ssyncset.s32 $0xFFFFF086  }
0x25: {  	[simem:s6], [sflag:s4] =	dma.local [hbm:s3], $0xF7A  }
0x26: {  	[smem:$0x3F9B] =	sst s1;
	(tag) =	ssettag s2;
	_ =	strace s9  }
0x27: {  	s1 =	sld [smem:$0x3FAB]  }
0x28: {  	s2 =	sld [smem:$0x3FAC]  }
0x29: {  	s4 =	sld [smem:$0x3FAE]  }
0x2a: {  	p0 =	seq.s32 s5, $0x0;
	s5 =	sld [smem:$0x3FAF]  }
0x2b: {  	s6 =	sld [smem:$0x3FB0]  }
0x2c: {  	s7 =	sld [smem:$0x3FB1]  }
0x2d: {  	s3 =	simm.s32 $0x108;
	s8 =	sld [smem:$0x3FB2]  }
0x2e: {  	s3 =	simm.s32 @!p0 $0x1082;
	s9 =	sld [smem:$0x3FB3]  }
0x2f: {  	lr =	sadd.s32 s0, s3;
	s0 =	sld [smem:$0x3FAA]  }
0x30: {  	s3 =	sld [smem:$0x3FAD]  }
0x31: {  	[smem:$0x3FB6] =	sst s10  }
0x32: {  	s10 =	sld [smem:$0x3FB4];
	_ =	sdelay $0x3  }
0x33: {  	p0 =	seq.s32 s10, $0x1;
	s10 =	sld [smem:$0x3FB6];
	_ =	sdelay $0x3  }
0x34: {  	[smem:$0x3FB6] =	sst s10  }
0x35: {  	s10 =	sld [smem:$0x3FB5];
	_ =	sdelay $0x3  }
0x36: {  	p1 =	seq.s32 s10, $0x1;
	s10 =	sld [smem:$0x3FB6];
	_ =	sdelay $0x3  }
0x37: {  	[smem:$0x3FB6] =	sst s10  }
0x38: {  	s10 =	sld [smem:$0x3FB7]  }
0x39: {  	_ = 	snop;
	(pc) =	sbr.ind lr, $3  }
0x3a: {  	_ = 	snop  }
0x3b: {  	_ = 	snop  }
0x3c: {  	p2 =	seq.s32 s10, $0x1;
	s10 =	sld [smem:$0x3FB6]  }
0x3d: {  	_ =	shalt  }
0x3e: {  	_ =	shalt  }
0x3f: {  	_ =	shalt  }
0x40: {  	_ =	shalt  }
0x41: {  	_ =	shalt  }
0x42: {  	_ =	shalt  }
0x43: {  	_ =	shalt  }
0x44: {  	_ =	shalt  }
0x45: {  	_ =	shalt  }
0x46: {  	_ =	shalt  }
0x47: {  	_ =	shalt  }
0x48: {  	_ =	shalt  }
0x49: {  	_ =	shalt  }
0x4a: {  	_ =	shalt  }
0x4b: {  	_ =	shalt  }
0x4c: {  	_ =	shalt  }
0x4d: {  	_ =	shalt  }
0x4e: {  	_ =	shalt  }
0x4f: {  	_ =	shalt  }
0x50: {  	_ =	shalt  }
0x51: {  	_ =	shalt  }
0x52: {  	_ =	shalt  }
0x53: {  	_ =	shalt  }
0x54: {  	_ =	shalt  }
0x55: {  	_ =	shalt  }
0x56: {  	_ =	shalt  }
0x57: {  	_ =	shalt  }
0x58: {  	_ =	shalt  }
0x59: {  	_ =	shalt  }
0x5a: {  	_ =	shalt  }
0x5b: {  	_ =	shalt  }
0x5c: {  	_ =	shalt  }
0x5d: {  	_ =	shalt  }
0x5e: {  	_ =	shalt  }
0x5f: {  	_ =	shalt  }
0x60: {  	_ =	shalt  }
0x61: {  	_ =	shalt  }
0x62: {  	_ =	shalt  }
0x63: {  	_ =	shalt  }
0x64: {  	_ =	shalt  }
0x65: {  	_ =	shalt  }
0x66: {  	_ =	shalt  }
0x67: {  	_ =	shalt  }
0x68: {  	_ =	shalt  }
0x69: {  	_ =	shalt  }
0x6a: {  	_ =	shalt  }
0x6b: {  	_ =	shalt  }
0x6c: {  	_ =	shalt  }
0x6d: {  	_ =	shalt  }
0x6e: {  	_ =	shalt  }
0x6f: {  	_ =	shalt  }
0x70: {  	_ =	shalt  }
0x71: {  	_ =	shalt  }
0x72: {  	_ =	shalt  }
0x73: {  	_ =	shalt  }
0x74: {  	_ =	shalt  }
0x75: {  	_ =	shalt  }
0x76: {  	_ =	shalt  }
0x77: {  	_ =	shalt  }
0x78: {  	_ =	shalt  }
0x79: {  	_ =	shalt  }
0x7a: {  	_ =	shalt  }
0x7b: {  	_ =	shalt  }
0x7c: {  	_ =	shalt  }
0x7d: {  	_ =	shalt  }
0x7e: {  	_ =	shalt  }
0x7f: {  	_ =	shalt  }
0x80: {  	_ =	shalt  }
0x81: {  	_ =	shalt  }
0x82: {  	_ =	shalt  }
0x83: {  	_ =	shalt  }
0x84: {  	_ =	shalt  }
0x85: {  	_ =	shalt  }
0x86: {  	_ =	shalt  }
0x87: {  	_ =	shalt  }
.Lfunc_end0:
.L_simem_size_0:
called_computation_lowered:
.L_overlay_start_0:
0x88: {  	s2 =	sld [smem:$0x3FD9]  }
0x89: {  	s3 =	sld [smem:$0x3FFE];
	_ =	sdelay $0x1  }
0x8a: {  	s1 =	srdreg.scid  }
0x8b: {  	s0 =	sand.u32 $0x1, s1  }
0x8c: {  	s14 =	sshll.u32 s0, $0xA;
	s2 =	sadd.s32 s3, s2  }
0x8d: {  	s2 =	sadd.s32 s2, s14  }
0x8e: {  	[smem:$0x3FC2] =	sst s2  }
0x8f: {  	_ = 	snop  }
0x90: {  	s2 =	sld [smem:$0x3FD0];
	_ =	sdelay $0x2  }
0x91: {  	s15 =	simm.s32 $0xA;
	s4 =	simm.s32 $0x10  }
0x92: {  	[smem:s4], [sflag:s15] =	dma.local [hbm:s2], $0x1  }
0x93: {  	_ =	swait.eq [sflag:s15], $0x1  }
0x94: {  	[sflag:s15] =	ssyncset.done $0x0  }
0x95: {  	[sflag:s15] =	ssyncadd.s32 $0xFFFFFFFF  }
0x96: {  	s16 =	sld [smem:$0x10];
	(tm) =	ssettm $0x1  }
0x97: {  	s17 =	sld [smem:$0x3FFB];
	_ =	sdelay $0x3  }
0x98: {  	_ =	strace s17  }
0x99: {  	s3 =	sld [smem:$0x3FFC];
	_ =	sdelay $0x3  }
0x9a: {  	_ =	strace s3  }
0x9b: {  	s3 =	sld [smem:$0x3FFD];
	_ =	sdelay $0x3  }
0x9c: {  	_ =	strace s3  }
0x9d: {  	_ =	strace $0x8FFFFFFF  }
0x9e: {  	s18 =	sld [smem:$0x3FDB];
	_ =	sdelay $0x1  }
0x9f: {  	s19 =	simm.s32 $_scs_section_size  }
0xa0: {  	s5 =	simm.s32 $_size__tile_overlayer_lowered;
	s6 =	simm.s32 $_tile_overlayer_lowered  }
0xa1: {  	s22 =	simm.s32 $0x1BFF;
	s21 =	sshll.u32 s6, $0x1;
	s3 =	sadd.s32 s19, s18  }
0xa2: {  	s7 =	simm.s32 $0x0;
	s20 =	sshll.u32 s5, $0x1;
	s5 =	sadd.s32 s21, s3  }
0xa3: {  	[timem:s7], [sflag:s22] =	dma.local [hbm:s5], s20  }
0xa4: {  	_ =	swait.ge [sflag:s22], s20  }
0xa5: {  	s4 =	ssub.s32 $0x0, s20;
	[sflag:s22] =	ssyncset.done $0x0  }
0xa6: {  	[sflag:s22] =	ssyncadd.s32 s4;
	_ =	sdelay $0x1  }
0xa7: {  	s23 =	simm.s32 $0x1B8B  }
0xa8: {  	_ =	swait.ge [sflag:s23], $0x1  }
0xa9: {  	[sflag:s23] =	ssyncset.done $0x0  }
0xaa: {  	s25 =	simm.s32 $0x1B8E;
	s24 =	sld [smem:$0x3FFE];
	[sflag:s23] =	ssyncadd.s32 $0xFFFFFFFF  }
0xab: {  	s26 =	simm.s32 $execute0_lowered;
	[smem:$0x3FD2] =	sst s25  }
0xac: {  	s5 =	sshll.u32 s26, $0x1;
	_ =	strace $0x80000046;
	[dreg:$0x1] =	wrdreg $0xFFFFFFFF  }
0xad: {  	s28 =	simm.s32 $_size_execute0_lowered;
	s3 =	sadd.s32 s3, s5;
	[dreg:$0x0] =	wrdreg $0x0  }
0xae: {  	s5 =	sshll.u32 s28, $0x1;
	[dreg:$0x2] =	wrdreg s3  }
0xaf: {  	[dreg:$0x3] =	wrdreg s5  }
0xb0: {  	[dreg:$0x4] =	wrdreg $0xC0  }
0xb1: {  	_ =	task [dreg:s7], $0x5FFFF  }
0xb2: {  	[dreg:$0x1] =	wrdreg $0xFFFFFFFF  }
0xb3: {  	[dreg:$0x0] =	wrdreg $0x60  }
0xb4: {  	[dreg:$0x2] =	wrdreg s24  }
0xb5: {  	[dreg:$0x3] =	wrdreg s16  }
0xb6: {  	[dreg:$0x4] =	wrdreg $0x9  }
0xb7: {  	_ =	task.clear_ibuf [dreg:s7], $0x5FFFF;
	_ =	strace $0x90000046  }
0xb8: {  	s29 =	simm.s32 $0x9;
	_ =	strace $0x80000048  }
0xb9: {  	_ =	swait.ge [sflag:s29], $0x1  }
0xba: {  	[sflag:s29] =	ssyncadd.s32 $0xFFFFFFFF  }
0xbb: {  	_ =	strace $0x90000048  }
0xbc: {  	_ =	sfence  }
0xbd: {  	s30 =	sld [smem:$0x0];
	_ =	sdelay $0x2  }
0xbe: {  	s31 =	sshll.u32 s1, $0xD;
	s1 =	sshrl.u32 s1, $0x2  }
0xbf: {  	s3 =	sand.u32 $0x4000, s31;
	s1 =	sadd.s32 s1, s30  }
0xc0: {  	s0 =	sor.u32 s3, s0;
	s1 =	sshll.u32 s1, $0x11  }
0xc1: {  	s0 =	sor.u32 s1, s0  }
0xc2: {  	s0 =	sadd.s32 $0x8F2B, s0  }
0xc3: {  	[sflag:s0] =	ssyncadd.remote.s32 $0x1  }
0xc4: {  	_ =	sfence.sel $0xFFFF  }
0xc5: {  	[dreg:$0x0] =	wrdreg $0xFFFFFFFF;
	(pc) =	sbr.abs _section_cstart, $3  }
0xc6: {  	[dreg:$0x1] =	wrdreg $0xFFFFFFFF  }
0xc7: {  	_ =	task.clear_ibuf [dreg:s7], $0x2FFFF;
	_ =	strace $0x9FFFFFFF  }
0xc8: {  	(tm) =	ssettm $0x7FFFFFFF  }
0xc9: {  	_ =	shalt  }
tec
execute0_lowered:
.L_overlay_start_1:
0x0: {  	(tag) =	ssettag $0x1  }
0x1: {  	s1 =	srdreg.scid  }
0x2: {  	s0 =	stileid.u32;
	s1 =	sand.u32 $0x1, s1  }
0x3: {  	s2 =	sshll.u32 s0, $0xB;
	s3 =	sshll.u32 s1, $0xA  }
0x4: {  	s5 =	rddreg [dreg:$0x0];
	s3 =	sor.u32 s3, s2  }
0x5: {  	s4 =	rddreg [dreg:$0x1];
	s6 =	sshrl.u32 s3, $0x3  }
0x6: {  	s2 =	simm.s32 $0x0;
	s3 =	sshll.u32 s3, $0x4;
	s6 =	sadd.s32 s6, s5  }
0x7: {  	[smem:$0x7FF] =	sst s2;
	s3 =	sadd.s32 s4, s3;
	s6 =	sadd.s32 $0x1400, s6  }
0x8: {  	_ =	strace $0x80000047;
	s4 =	sadd.s32 $0x800, s3;
	[dreg:$0x3] =	wrdreg s6  }
0x9: {  	[dreg:$0x4] =	wrdreg s4  }
0xa: {  	s4 =	simm.s32 $0x9;
	s6 =	rddreg [dreg:$0x3]  }
0xb: {  	[tilespmem:s2], [sflag:$0x9] =	stream.linear.gather [hbm4b:s6+s2], $0x400, $0x38;
	[tilespmem:$0x10400] =	vst v63  }
0xc: {  	_ =	swait.ge [sflag:s4], $0x400  }
0xd: {  	s7 =	simm.s32 $0x400;
	[sflag:s4] =	ssyncset.done $0x0  }
0xe: {  	s5 =	sadd.s32 $0x2400, s5;
	s6 =	simm.s32 $0x80;
	[sflag:s4] =	ssyncadd.s32 $0xFFFFFC00  }
0xf: {  	[tilespmem:s7], [sflag:$0x1] =	stream.indirect.gather [hbm4b:s5+s6], $0x80, s2, s6, $0xb8;
	[tilespmem:$0x10400] =	vst v63  }
0x10: {  	s8 =	simm.s32 $0x4400;
	s9 =	simm.s32 $0x1  }
0x11: {  	[tilespmem:s8], [sflag:$0x2] =	stream.indirect.gather [hbm4b:s5+s6], $0x80, s6, s6, $0xb8;
	[tilespmem:$0x10400] =	vst v63  }
0x12: {  	_ =	swait.ge [sflag:s9], $0x4000  }
0x13: {  	[sflag:s9] =	ssyncset.done $0x0  }
0x14: {  	[sflag:s9] =	ssyncadd.s32 $0xFFFFC000  }
0x15: {  	[hbm4b:s3+s2] =	stream.linear.scatter [tilespmem:s7], [sflag:$0x5], $0x4000, $0x38;
	[tilespmem:$0x10400] =	vst v63  }
0x16: {  	s10 =	simm.s32 $0x100;
	s11 =	simm.s32 $0x8400;
	s12 =	simm.s32 $0x2  }
0x17: {  	[tilespmem:s11], [sflag:$0x3] =	stream.indirect.gather [hbm4b:s5+s6], $0x80, s10, s6, $0xb8;
	[tilespmem:$0x10400] =	vst v63  }
0x18: {  	_ =	swait.ge [sflag:s12], $0x4000  }
0x19: {  	[sflag:s12] =	ssyncset.done $0x0  }
0x1a: {  	s13 =	rddreg [dreg:$0x4];
	[sflag:s12] =	ssyncadd.s32 $0xFFFFC000  }
0x1b: {  	[hbm4b:s13+s2] =	stream.linear.scatter [tilespmem:s8], [sflag:$0x6], $0x4000, $0x38;
	[tilespmem:$0x10400] =	vst v63  }
0x1c: {  	s14 =	simm.s32 $0xC400;
	s15 =	simm.s32 $0x3;
	s13 =	simm.s32 $0x180  }
0x1d: {  	[tilespmem:s14], [sflag:$0x4] =	stream.indirect.gather [hbm4b:s5+s6], $0x80, s13, s6, $0xb8;
	[tilespmem:$0x10400] =	vst v63  }
0x1e: {  	_ =	swait.ge [sflag:s15], $0x4000  }
0x1f: {  	[sflag:s15] =	ssyncset.done $0x0  }
0x20: {  	s17 =	simm.s32 $0x5;
	s16 =	sadd.s32 $0x1000, s3;
	[sflag:s15] =	ssyncadd.s32 $0xFFFFC000  }
0x21: {  	[hbm4b:s16+s2] =	stream.linear.scatter [tilespmem:s11], [sflag:$0x7], $0x4000, $0x38;
	[tilespmem:$0x10400] =	vst v63  }
0x22: {  	_ =	swait.ge [sflag:s17], $0x4000  }
0x23: {  	[sflag:s17] =	ssyncset.done $0x0  }
0x24: {  	s18 =	simm.s32 $0x200;
	s19 =	simm.s32 $0x4;
	[sflag:s17] =	ssyncadd.s32 $0xFFFFC000  }
0x25: {  	[tilespmem:s7], [sflag:$0x1] =	stream.indirect.gather [hbm4b:s5+s6], $0x80, s18, s6, $0xb8;
	[tilespmem:$0x10400] =	vst v63  }
0x26: {  	_ =	swait.ge [sflag:s19], $0x4000  }
0x27: {  	[sflag:s19] =	ssyncset.done $0x0  }
0x28: {  	s21 =	simm.s32 $0x6;
	s20 =	sadd.s32 $0x1800, s3;
	[sflag:s19] =	ssyncadd.s32 $0xFFFFC000  }
0x29: {  	[hbm4b:s20+s2] =	stream.linear.scatter [tilespmem:s14], [sflag:$0x8], $0x4000, $0x38;
	[tilespmem:$0x10400] =	vst v63  }
0x2a: {  	_ =	swait.ge [sflag:s21], $0x4000  }
0x2b: {  	[sflag:s21] =	ssyncset.done $0x0  }
0x2c: {  	s22 =	simm.s32 $0x280;
	[sflag:s21] =	ssyncadd.s32 $0xFFFFC000  }
0x2d: {  	[tilespmem:s8], [sflag:$0x2] =	stream.indirect.gather [hbm4b:s5+s6], $0x80, s22, s6, $0xb8;
	[tilespmem:$0x10400] =	vst v63  }
0x2e: {  	_ =	swait.ge [sflag:s9], $0x4000  }
0x2f: {  	[sflag:s9] =	ssyncset.done $0x0  }
0x30: {  	s24 =	simm.s32 $0x7;
	s23 =	sadd.s32 $0x2000, s3;
	[sflag:s9] =	ssyncadd.s32 $0xFFFFC000  }
0x31: {  	[hbm4b:s23+s2] =	stream.linear.scatter [tilespmem:s7], [sflag:$0x5], $0x4000, $0x38;
	[tilespmem:$0x10400] =	vst v63  }
0x32: {  	_ =	swait.ge [sflag:s24], $0x4000  }
0x33: {  	[sflag:s24] =	ssyncset.done $0x0  }
0x34: {  	s25 =	simm.s32 $0x300;
	[sflag:s24] =	ssyncadd.s32 $0xFFFFC000  }
0x35: {  	[tilespmem:s11], [sflag:$0x3] =	stream.indirect.gather [hbm4b:s5+s6], $0x80, s25, s6, $0xb8;
	[tilespmem:$0x10400] =	vst v63  }
0x36: {  	_ =	swait.ge [sflag:s12], $0x4000  }
0x37: {  	[sflag:s12] =	ssyncset.done $0x0  }
0x38: {  	s26 =	simm.s32 $0x8;
	s28 =	sadd.s32 $0x2800, s3;
	[sflag:s12] =	ssyncadd.s32 $0xFFFFC000  }
0x39: {  	[hbm4b:s28+s2] =	stream.linear.scatter [tilespmem:s8], [sflag:$0x6], $0x4000, $0x38;
	[tilespmem:$0x10400] =	vst v63  }
0x3a: {  	_ =	swait.ge [sflag:s26], $0x4000  }
0x3b: {  	[sflag:s26] =	ssyncset.done $0x0  }
0x3c: {  	s29 =	simm.s32 $0x380;
	[sflag:s26] =	ssyncadd.s32 $0xFFFFC000  }
0x3d: {  	[tilespmem:s14], [sflag:$0x4] =	stream.indirect.gather [hbm4b:s5+s6], $0x80, s29, s6, $0xb8;
	[tilespmem:$0x10400] =	vst v63  }
0x3e: {  	_ =	swait.ge [sflag:s15], $0x4000  }
0x3f: {  	[sflag:s15] =	ssyncset.done $0x0  }
0x40: {  	s30 =	sadd.s32 $0x3000, s3;
	[sflag:s15] =	ssyncadd.s32 $0xFFFFC000  }
0x41: {  	[hbm4b:s30+s2] =	stream.linear.scatter [tilespmem:s11], [sflag:$0x7], $0x4000, $0x38;
	[tilespmem:$0x10400] =	vst v63  }
0x42: {  	_ =	swait.ge [sflag:s19], $0x4000  }
0x43: {  	[sflag:s19] =	ssyncset.done $0x0  }
0x44: {  	s31 =	sadd.s32 $0x3800, s3;
	[sflag:s19] =	ssyncadd.s32 $0xFFFFC000  }
0x45: {  	[hbm4b:s31+s2] =	stream.linear.scatter [tilespmem:s14], [sflag:$0x8], $0x4000, $0x38;
	[tilespmem:$0x10400] =	vst v63  }
0x46: {  	s1 =	ssub.s32 $0x2, s1;
	_ =	swait.ge [sflag:s17], $0x4000  }
0x47: {  	s0 =	sshrl.u32 s1, $0x1;
	[sflag:s17] =	ssyncset.done $0x0  }
0x48: {  	s0 =	ssub.s32 s1, s0;
	[sflag:s17] =	ssyncadd.s32 $0xFFFFC000  }
0x49: {  	s0 =	smax.u32 s0, $0x1;
	_ =	swait.ge [sflag:s21], $0x4000  }
0x4a: {  	p0 =	sne.s32 s0, $0x1;
	[sflag:s21] =	ssyncset.done $0x0  }
.Ltmp0:
0x4b: {  	[sflag:s21] =	ssyncadd.s32 $0xFFFFC000;
	(pc) =	sbr.rel @!p0 .LBB2_2-.Ltmp0, $4  }
0x4c: {  	_ =	swait.ge [sflag:s24], $0x4000  }
0x4d: {  	[sflag:s24] =	ssyncset.done $0x0  }
0x4e: {  	[sflag:s24] =	ssyncadd.s32 $0xFFFFC000  }
0x4f: {  	s1 =	sadd.s32 $0xFFFFFFFF, s0;
	_ =	swait.ge [sflag:s26], $0x4000  }
.LBB2_1:
0x50: {  	[sflag:s26] =	ssyncset.done $0x0  }
0x51: {  	s0 =	rddreg [dreg:$0x3];
	[sflag:s26] =	ssyncadd.s32 $0xFFFFC000  }
0x52: {  	[tilespmem:s2], [sflag:$0x9] =	stream.linear.gather [hbm4b:s0+s2], $0x400, $0x38;
	[tilespmem:$0x10400] =	vst v63  }
0x53: {  	_ =	swait.ge [sflag:s4], $0x400  }
0x54: {  	[sflag:s4] =	ssyncset.done $0x0  }
0x55: {  	[sflag:s4] =	ssyncadd.s32 $0xFFFFFC00  }
0x56: {  	[tilespmem:s7], [sflag:$0x1] =	stream.indirect.gather [hbm4b:s5+s6], $0x80, s2, s6, $0xb8;
	[tilespmem:$0x10400] =	vst v63  }
0x57: {  	_ = 	snop  }
0x58: {  	[tilespmem:s8], [sflag:$0x2] =	stream.indirect.gather [hbm4b:s5+s6], $0x80, s6, s6, $0xb8;
	[tilespmem:$0x10400] =	vst v63  }
0x59: {  	_ =	swait.ge [sflag:s9], $0x4000  }
0x5a: {  	[sflag:s9] =	ssyncset.done $0x0  }
0x5b: {  	[sflag:s9] =	ssyncadd.s32 $0xFFFFC000  }
0x5c: {  	[hbm4b:s3+s2] =	stream.linear.scatter [tilespmem:s7], [sflag:$0x5], $0x4000, $0x38;
	[tilespmem:$0x10400] =	vst v63  }
0x5d: {  	_ = 	snop  }
0x5e: {  	[tilespmem:s11], [sflag:$0x3] =	stream.indirect.gather [hbm4b:s5+s6], $0x80, s10, s6, $0xb8;
	[tilespmem:$0x10400] =	vst v63  }
0x5f: {  	_ =	swait.ge [sflag:s12], $0x4000  }
0x60: {  	[sflag:s12] =	ssyncset.done $0x0  }
0x61: {  	s0 =	rddreg [dreg:$0x4];
	[sflag:s12] =	ssyncadd.s32 $0xFFFFC000  }
0x62: {  	[hbm4b:s0+s2] =	stream.linear.scatter [tilespmem:s8], [sflag:$0x6], $0x4000, $0x38;
	[tilespmem:$0x10400] =	vst v63  }
0x63: {  	_ = 	snop  }
0x64: {  	[tilespmem:s14], [sflag:$0x4] =	stream.indirect.gather [hbm4b:s5+s6], $0x80, s13, s6, $0xb8;
	[tilespmem:$0x10400] =	vst v63  }
0x65: {  	_ =	swait.ge [sflag:s15], $0x4000  }
0x66: {  	[sflag:s15] =	ssyncset.done $0x0  }
0x67: {  	[sflag:s15] =	ssyncadd.s32 $0xFFFFC000  }
0x68: {  	[hbm4b:s16+s2] =	stream.linear.scatter [tilespmem:s11], [sflag:$0x7], $0x4000, $0x38;
	[tilespmem:$0x10400] =	vst v63  }
0x69: {  	_ =	swait.ge [sflag:s17], $0x4000  }
0x6a: {  	[sflag:s17] =	ssyncset.done $0x0  }
0x6b: {  	[sflag:s17] =	ssyncadd.s32 $0xFFFFC000  }
0x6c: {  	[tilespmem:s7], [sflag:$0x1] =	stream.indirect.gather [hbm4b:s5+s6], $0x80, s18, s6, $0xb8;
	[tilespmem:$0x10400] =	vst v63  }
0x6d: {  	_ =	swait.ge [sflag:s19], $0x4000  }
0x6e: {  	[sflag:s19] =	ssyncset.done $0x0  }
0x6f: {  	[sflag:s19] =	ssyncadd.s32 $0xFFFFC000  }
0x70: {  	[hbm4b:s20+s2] =	stream.linear.scatter [tilespmem:s14], [sflag:$0x8], $0x4000, $0x38;
	[tilespmem:$0x10400] =	vst v63  }
0x71: {  	_ =	swait.ge [sflag:s21], $0x4000  }
0x72: {  	[sflag:s21] =	ssyncset.done $0x0  }
0x73: {  	[sflag:s21] =	ssyncadd.s32 $0xFFFFC000  }
0x74: {  	[tilespmem:s8], [sflag:$0x2] =	stream.indirect.gather [hbm4b:s5+s6], $0x80, s22, s6, $0xb8;
	[tilespmem:$0x10400] =	vst v63  }
0x75: {  	_ =	swait.ge [sflag:s9], $0x4000  }
0x76: {  	[sflag:s9] =	ssyncset.done $0x0  }
0x77: {  	[sflag:s9] =	ssyncadd.s32 $0xFFFFC000  }
0x78: {  	[hbm4b:s23+s2] =	stream.linear.scatter [tilespmem:s7], [sflag:$0x5], $0x4000, $0x38;
	[tilespmem:$0x10400] =	vst v63  }
0x79: {  	_ =	swait.ge [sflag:s24], $0x4000  }
0x7a: {  	[sflag:s24] =	ssyncset.done $0x0  }
0x7b: {  	[sflag:s24] =	ssyncadd.s32 $0xFFFFC000  }
0x7c: {  	[tilespmem:s11], [sflag:$0x3] =	stream.indirect.gather [hbm4b:s5+s6], $0x80, s25, s6, $0xb8;
	[tilespmem:$0x10400] =	vst v63  }
0x7d: {  	_ =	swait.ge [sflag:s12], $0x4000  }
0x7e: {  	[sflag:s12] =	ssyncset.done $0x0  }
0x7f: {  	[sflag:s12] =	ssyncadd.s32 $0xFFFFC000  }
0x80: {  	[hbm4b:s28+s2] =	stream.linear.scatter [tilespmem:s8], [sflag:$0x6], $0x4000, $0x38;
	[tilespmem:$0x10400] =	vst v63  }
0x81: {  	_ =	swait.ge [sflag:s26], $0x4000  }
0x82: {  	[sflag:s26] =	ssyncset.done $0x0  }
0x83: {  	[sflag:s26] =	ssyncadd.s32 $0xFFFFC000  }
0x84: {  	[tilespmem:s14], [sflag:$0x4] =	stream.indirect.gather [hbm4b:s5+s6], $0x80, s29, s6, $0xb8;
	[tilespmem:$0x10400] =	vst v63  }
0x85: {  	_ =	swait.ge [sflag:s15], $0x4000  }
0x86: {  	[sflag:s15] =	ssyncset.done $0x0  }
0x87: {  	[sflag:s15] =	ssyncadd.s32 $0xFFFFC000  }
0x88: {  	[hbm4b:s30+s2] =	stream.linear.scatter [tilespmem:s11], [sflag:$0x7], $0x4000, $0x38;
	[tilespmem:$0x10400] =	vst v63  }
0x89: {  	_ =	swait.ge [sflag:s19], $0x4000  }
0x8a: {  	[sflag:s19] =	ssyncset.done $0x0  }
0x8b: {  	[sflag:s19] =	ssyncadd.s32 $0xFFFFC000  }
0x8c: {  	[hbm4b:s31+s2] =	stream.linear.scatter [tilespmem:s14], [sflag:$0x8], $0x4000, $0x38;
	[tilespmem:$0x10400] =	vst v63  }
0x8d: {  	_ =	swait.ge [sflag:s17], $0x4000  }
0x8e: {  	[sflag:s17] =	ssyncset.done $0x0  }
0x8f: {  	[sflag:s17] =	ssyncadd.s32 $0xFFFFC000  }
0x90: {  	_ =	swait.ge [sflag:s21], $0x4000  }
0x91: {  	p0 =	sne.s32 s1, $0x1;
	[sflag:s21] =	ssyncset.done $0x0  }
.Ltmp1:
0x92: {  	[sflag:s21] =	ssyncadd.s32 $0xFFFFC000;
	(pc) =	sbr.rel @p0 .LBB2_1-.Ltmp1, $4  }
0x93: {  	_ =	swait.ge [sflag:s24], $0x4000  }
0x94: {  	[sflag:s24] =	ssyncset.done $0x0  }
0x95: {  	[sflag:s24] =	ssyncadd.s32 $0xFFFFC000  }
0x96: {  	s1 =	sadd.s32 $0xFFFFFFFF, s1;
	_ =	swait.ge [sflag:s26], $0x4000  }
.LBB2_2:
0x97: {  	[sflag:s26] =	ssyncset.done $0x0  }
0x98: {  	[sflag:s26] =	ssyncadd.s32 $0xFFFFC000  }
0x99: {  	_ =	sfence.sel $0x180000  }
0x9a: {  	[bflag:$0x0] =	sbarrier.arrive $0xFFFF  }
0x9b: {  	_ =	strace $0x90000047  }
0x9c: {  	s0 =	stileid.u32;
	[bflag:$0x2] =	sbarrier.arrive $0xFFFF  }
0x9d: {  	p0 =	sne.s32 s0, $0x0;
	s0 =	rddreg [dreg:$0x2]  }
0x9e: {  	s0 =	sadd.s32 @!p0 $0x100000, s0  }
0x9f: {  	[sflag:s0] =	ssyncadd.tile.s32 @!p0 $0x1;
	_ =	shalt  }
.Lfunc_end2:
_tile_overlayer_lowered:
.L_overlay_start_2:
0xa0: {  	(tag) =	ssettag $0x2  }
0xa1: {  	s0 =	rddreg [dreg:$0x0];
	s2 =	stileid.u32  }
0xa2: {  	s1 =	rddreg [dreg:$0x1];
	p0 =	sne.s32 s2, $0x0  }
0xa3: {  	s3 =	rddreg [dreg:$0x2];
	[bflag:$0x3] =	sbarrier.arrive $0xFFFF;
	s2 =	simm.s32 @!p0 $0x1C09  }
0xa4: {  	[timem:s3], [sflag:s2] =	dma.local @!p0 [hbm:s0], s1  }
0xa5: {  	s0 =	simm.s32 @!p0 $0x9  }
0xa6: {  	_ =	swait.ge @!p0 [sflag:s0], s1  }
0xa7: {  	s1 =	ssub.s32 @!p0 $0x0, s1;
	[sflag:s0] =	ssyncset.done @!p0 $0x0  }
0xa8: {  	[sflag:s0] =	ssyncadd.s32 @!p0 s1  }
0xa9: {  	[bflag:$0x3] =	sbarrier.arrive $0xFFFF  }
0xaa: {  	_ =	shalt  }

</sc_bundles>
